<compile_context>
chip_gen: v7x
topology: tpu7x:2x2x1
jax: 0.10.2.dev20260603
libtpu: 0.0.44.dev20260713+nightly
codegen_flags: <defaults>
</compile_context>

<pallas_src>
import dataclasses
import functools

import jax
import jax.numpy as jnp
from jax import lax
from jax.experimental import pallas as pl
from jax.experimental.pallas import tpu as pltpu
from jax.experimental.pallas import tpu_sc as plsc

_VOCAB = 30522
_RATE = 0.15
_MAX_SEL = 320
_MASK_ID = 0
_MASK_RATE = 0.8
_RAND_RATE = 0.1

_B = 16
_S = 2048
_L = 16
_NCHUNK = _S // _L
_WCHUNK = _MAX_SEL // _L


def _build_sc_call():
    mesh = plsc.VectorSubcoreMesh(core_axis_name="c", subcore_axis_name="s")
    i32 = jnp.int32
    out_type = (
        jax.ShapeDtypeStruct((_B, _S), i32),
        jax.ShapeDtypeStruct((_B, _MAX_SEL), i32),
        jax.ShapeDtypeStruct((_B, _MAX_SEL), i32),
        jax.ShapeDtypeStruct((_B, _MAX_SEL), i32),
    )

    cp = pltpu.CompilerParams()
    if "needs_layout_passes" in pltpu.CompilerParams.__dataclass_fields__:
        cp = dataclasses.replace(cp, needs_layout_passes=False)

    @functools.partial(
        pl.kernel,
        out_type=out_type,
        mesh=mesh,
        compiler_params=cp,
        scratch_types=[
            pltpu.VMEM((_S,), i32),
            pltpu.VMEM((_S,), i32),
            pltpu.VMEM((_S,), i32),
            pltpu.VMEM((_S,), i32),
            pltpu.VMEM((_MAX_SEL,), i32),
            pltpu.VMEM((_MAX_SEL,), i32),
            pltpu.VMEM((_MAX_SEL,), i32),
            pltpu.SemaphoreType.DMA,
        ],
    )
    def sc_call(tok_h, aux_h, rnd_h, omi_h, omp_h, omid_h, ow_h,
                tok_v, aux_v, rnd_v, out_v, pos_v, ids_v, w_v, sem):
        wid = lax.axis_index("s") * 2 + lax.axis_index("c")

        @pl.when(wid < _B)
        def _():
            row = wid
            c1 = pltpu.async_copy(tok_h.at[row], tok_v, sem)
            c2 = pltpu.async_copy(aux_h.at[row], aux_v, sem)
            c3 = pltpu.async_copy(rnd_h.at[row], rnd_v, sem)
            c1.wait()
            c2.wait()
            c3.wait()

            iota = lax.iota(i32, _L)

            def chunk(i, count):
                base = i * _L
                a = aux_v[pl.ds(base, _L)]
                t = tok_v[pl.ds(base, _L)]
                rv = rnd_v[pl.ds(base, _L)]
                sel_i = lax.shift_right_logical(a, 2)
                c = plsc.cumsum(sel_i)
                tot = count + c
                keep = (sel_i > 0) & (tot <= _MAX_SEL)
                code = lax.bitwise_and(a, 3)
                new = jnp.where(code == 0, _MASK_ID, jnp.where(code == 1, rv, t))
                out_v[pl.ds(base, _L)] = jnp.where(keep, new, t)
                slot = tot - 1
                plsc.store_scatter(pos_v, [slot], base + iota, mask=keep)
                plsc.store_scatter(ids_v, [slot], t, mask=keep)
                return count + jnp.max(c)

            count = lax.fori_loop(0, _NCHUNK, chunk, jnp.int32(0))
            count = jnp.minimum(count, _MAX_SEL)

            def wchunk(j, carry):
                base = j * _L
                w = ((base + iota) < count).astype(i32)
                w_v[pl.ds(base, _L)] = w
                pos_v[pl.ds(base, _L)] = pos_v[pl.ds(base, _L)] * w
                ids_v[pl.ds(base, _L)] = ids_v[pl.ds(base, _L)] * w
                return carry

            lax.fori_loop(0, _WCHUNK, wchunk, jnp.int32(0))

            d1 = pltpu.async_copy(out_v, omi_h.at[row], sem)
            d2 = pltpu.async_copy(pos_v, omp_h.at[row], sem)
            d3 = pltpu.async_copy(ids_v, omid_h.at[row], sem)
            d4 = pltpu.async_copy(w_v, ow_h.at[row], sem)
            d1.wait()
            d2.wait()
            d3.wait()
            d4.wait()

    return sc_call


_SC_CALL = _build_sc_call()


def kernel(inputs):
    token_ids = inputs
    key = jax.random.key(42)
    k_sel, k_val, k_rand = jax.random.split(key, 3)

    sel_u = jax.random.uniform(k_sel, (_B, _S))
    val_u = jax.random.uniform(k_val, (_B, _S))
    rand_tok = jax.random.randint(k_rand, (_B, _S), 0, _VOCAB,
                                  dtype=token_ids.dtype)

    sel_bit = (sel_u < _RATE).astype(jnp.int32)
    code = jnp.where(
        val_u < _MASK_RATE, 0,
        jnp.where(val_u < _MASK_RATE + _RAND_RATE, 1, 2)).astype(jnp.int32)
    aux = sel_bit * 4 + code

    return _SC_CALL(token_ids, aux, rand_tok)

# --- scband reference (transcript-rebuilt; emitter-appended) ---
"""Pipeline reference for scband-mlmmask-generator-59296318488656 (READ-ONLY COPY).

The authoritative reference and input builder live on the scoring server;
editing this copy changes nothing except your own understanding.
"""

import jax, jax.numpy as jnp
import numpy as np

VOCAB = 30522
RATE = 0.15
MAX_SEL = 320
MASK_ID = 0
MASK_RATE = 0.8
RAND_RATE = 0.1


def setup_inputs(seed: int = 0) -> dict:
    key = jax.random.key(seed)
    inputs = jax.random.randint(key, (16, 2048), 0, VOCAB, dtype=jnp.int32)
    return {"inputs": inputs}


def reference(inputs):
    # Faithful JAX translation of MLMMaskGenerator.call for dense 2D int input
    # (no padding_token_id, no unselectable_token_ids, dense mask positions).
    token_ids = inputs
    B, S = token_ids.shape
    key = jax.random.key(42)
    k_sel, k_val, k_rand = jax.random.split(key, 3)

    # RandomItemSelector: select each token independently with selection_rate,
    # capped at max_selections per sequence (first MAX_SEL selected in order).
    sel_u = jax.random.uniform(k_sel, (B, S))
    selected = sel_u < RATE
    csum = jnp.cumsum(selected.astype(jnp.int32), axis=1)
    selected = selected & (csum <= MAX_SEL)

    # Dense masked_positions: stable argsort pushes selected positions first,
    # preserving original order (jnp.argsort is stable).
    order = jnp.argsort(jnp.where(selected, 0, 1).astype(jnp.int32), axis=1)
    positions = order[:, :MAX_SEL]
    counts = jnp.minimum(jnp.sum(selected.astype(jnp.int32), axis=1), MAX_SEL)
    mask_weights = (jnp.arange(MAX_SEL)[None, :] < counts[:, None]).astype(jnp.int32)

    orig_ids = jnp.take_along_axis(token_ids, positions, axis=1)
    masked_ids = orig_ids * mask_weights
    masked_positions = positions * mask_weights

    # MaskValuesChooser: 80% mask token, 10% random token, 10% unchanged.
    val_u = jax.random.uniform(k_val, (B, S))
    rand_tok = jax.random.randint(k_rand, (B, S), 0, VOCAB, dtype=token_ids.dtype)
    new_vals = jnp.where(
        val_u < MASK_RATE,
        jnp.asarray(MASK_ID, dtype=token_ids.dtype),
        jnp.where(val_u < MASK_RATE + RAND_RATE, rand_tok, token_ids),
    )
    masked_input_ids = jnp.where(selected, new_vals, token_ids)

    return (masked_input_ids, masked_positions, masked_ids, mask_weights)

if __name__ == "__main__":
    import jax
    _d = setup_inputs()
    print(jax.jit(kernel)(*tuple(_d.values())))

</pallas_src>

<mosaic_0001>
#map = affine_map<(d0, d1) -> (0, 0)>
module attributes {stable_mosaic.version = 14 : i64} {
  func.func @sc_call(%arg0: i32, %arg1: i32, %arg2: memref<16x2048xi32, #tpu.memory_space<hbm>>, %arg3: memref<16x2048xi32, #tpu.memory_space<hbm>>, %arg4: memref<16x2048xi32, #tpu.memory_space<hbm>>, %arg5: memref<16x2048xi32, #tpu.memory_space<hbm>>, %arg6: memref<16x320xi32, #tpu.memory_space<hbm>>, %arg7: memref<16x320xi32, #tpu.memory_space<hbm>>, %arg8: memref<16x320xi32, #tpu.memory_space<hbm>>, %arg9: memref<2048xi32, #tpu.memory_space<vmem>>, %arg10: memref<2048xi32, #tpu.memory_space<vmem>>, %arg11: memref<2048xi32, #tpu.memory_space<vmem>>, %arg12: memref<2048xi32, #tpu.memory_space<vmem>>, %arg13: memref<320xi32, #tpu.memory_space<vmem>>, %arg14: memref<320xi32, #tpu.memory_space<vmem>>, %arg15: memref<320xi32, #tpu.memory_space<vmem>>, %arg16: memref<!tpu.dma_semaphore, #tpu.memory_space<semaphore_mem>>) attributes {dimension_semantics = [#tpu.dimension_semantics<core_parallel>, #tpu.dimension_semantics<subcore_parallel>], iteration_bounds = array<i64: 2, 16>, scalar_prefetch = 0 : i64, scratch_operands = 8 : i64, tpu.core_type = #tpu.core_type<sc_vector_subcore>, window_params = [{transform_indices = #map}, {transform_indices = #map}, {transform_indices = #map}, {transform_indices = #map}, {transform_indices = #map}, {transform_indices = #map}, {transform_indices = #map}]} {
    %mul3A = arith.constant 2 : i32
    %mul3A_0 = arith.muli %arg1, %mul3A : i32
    %add3A = arith.addi %mul3A_0, %arg0 : i32
    %lt3A = arith.constant 16 : i32
    %lt3A_1 = arith.cmpi slt, %add3A, %lt3A : i32
    %convert_element_type3A = arith.extui %lt3A_1 : i1 to i32
    %cond3A = arith.constant 0 : i32
    %cond3A_2 = arith.cmpi ne, %convert_element_type3A, %cond3A : i32
    scf.if %cond3A_2 {
      %dma_start3A = arith.constant 0 : i32
      %dma_start3A_3 = tpu.memref_slice %arg2[%add3A, %dma_start3A] : memref<16x2048xi32, #tpu.memory_space<hbm>> -> memref<1x2048xi32, #tpu.memory_space<hbm>>
      %dma_start3A_4 = tpu.memref_squeeze %dma_start3A_3 : memref<1x2048xi32, #tpu.memory_space<hbm>> -> memref<2048xi32, #tpu.memory_space<hbm>>
      %dma_start3A_5 = arith.constant 0 : i32
      %dma_start3A_6 = tpu.memref_slice %arg2[%add3A, %dma_start3A_5] : memref<16x2048xi32, #tpu.memory_space<hbm>> -> memref<1x2048xi32, #tpu.memory_space<hbm>>
      %dma_start3A_7 = tpu.memref_squeeze %dma_start3A_6 : memref<1x2048xi32, #tpu.memory_space<hbm>> -> memref<2048xi32, #tpu.memory_space<hbm>>
      tpu.enqueue_dma source(%dma_start3A_7 : memref<2048xi32, #tpu.memory_space<hbm>>) target(%arg9 : memref<2048xi32, #tpu.memory_space<vmem>>) target_semaphore(%arg16 : memref<!tpu.dma_semaphore, #tpu.memory_space<semaphore_mem>>)
      %dma_start3A_8 = arith.constant 0 : i32
      %dma_start3A_9 = tpu.memref_slice %arg3[%add3A, %dma_start3A_8] : memref<16x2048xi32, #tpu.memory_space<hbm>> -> memref<1x2048xi32, #tpu.memory_space<hbm>>
      %dma_start3A_10 = tpu.memref_squeeze %dma_start3A_9 : memref<1x2048xi32, #tpu.memory_space<hbm>> -> memref<2048xi32, #tpu.memory_space<hbm>>
      %dma_start3A_11 = arith.constant 0 : i32
      %dma_start3A_12 = tpu.memref_slice %arg3[%add3A, %dma_start3A_11] : memref<16x2048xi32, #tpu.memory_space<hbm>> -> memref<1x2048xi32, #tpu.memory_space<hbm>>
      %dma_start3A_13 = tpu.memref_squeeze %dma_start3A_12 : memref<1x2048xi32, #tpu.memory_space<hbm>> -> memref<2048xi32, #tpu.memory_space<hbm>>
      tpu.enqueue_dma source(%dma_start3A_13 : memref<2048xi32, #tpu.memory_space<hbm>>) target(%arg10 : memref<2048xi32, #tpu.memory_space<vmem>>) target_semaphore(%arg16 : memref<!tpu.dma_semaphore, #tpu.memory_space<semaphore_mem>>)
      %dma_start3A_14 = arith.constant 0 : i32
      %dma_start3A_15 = tpu.memref_slice %arg4[%add3A, %dma_start3A_14] : memref<16x2048xi32, #tpu.memory_space<hbm>> -> memref<1x2048xi32, #tpu.memory_space<hbm>>
      %dma_start3A_16 = tpu.memref_squeeze %dma_start3A_15 : memref<1x2048xi32, #tpu.memory_space<hbm>> -> memref<2048xi32, #tpu.memory_space<hbm>>
      %dma_start3A_17 = arith.constant 0 : i32
      %dma_start3A_18 = tpu.memref_slice %arg4[%add3A, %dma_start3A_17] : memref<16x2048xi32, #tpu.memory_space<hbm>> -> memref<1x2048xi32, #tpu.memory_space<hbm>>
      %dma_start3A_19 = tpu.memref_squeeze %dma_start3A_18 : memref<1x2048xi32, #tpu.memory_space<hbm>> -> memref<2048xi32, #tpu.memory_space<hbm>>
      tpu.enqueue_dma source(%dma_start3A_19 : memref<2048xi32, #tpu.memory_space<hbm>>) target(%arg11 : memref<2048xi32, #tpu.memory_space<vmem>>) target_semaphore(%arg16 : memref<!tpu.dma_semaphore, #tpu.memory_space<semaphore_mem>>)
      %dma_wait3A = arith.constant 0 : i32
      %dma_wait3A_20 = tpu.memref_slice %arg2[%add3A, %dma_wait3A] : memref<16x2048xi32, #tpu.memory_space<hbm>> -> memref<1x2048xi32, #tpu.memory_space<hbm>>
      %dma_wait3A_21 = tpu.memref_squeeze %dma_wait3A_20 : memref<1x2048xi32, #tpu.memory_space<hbm>> -> memref<2048xi32, #tpu.memory_space<hbm>>
      %dma_wait3A_22 = arith.constant 0 : i32
      %dma_wait3A_23 = tpu.memref_slice %arg2[%add3A, %dma_wait3A_22] : memref<16x2048xi32, #tpu.memory_space<hbm>> -> memref<1x2048xi32, #tpu.memory_space<hbm>>
      %dma_wait3A_24 = tpu.memref_squeeze %dma_wait3A_23 : memref<1x2048xi32, #tpu.memory_space<hbm>> -> memref<2048xi32, #tpu.memory_space<hbm>>
      tpu.wait_dma2 semaphore(%arg16 : memref<!tpu.dma_semaphore, #tpu.memory_space<semaphore_mem>>) src(%dma_wait3A_24 : memref<2048xi32, #tpu.memory_space<hbm>>) dst(%arg9 : memref<2048xi32, #tpu.memory_space<vmem>>)
      %dma_wait3A_25 = arith.constant 0 : i32
      %dma_wait3A_26 = tpu.memref_slice %arg3[%add3A, %dma_wait3A_25] : memref<16x2048xi32, #tpu.memory_space<hbm>> -> memref<1x2048xi32, #tpu.memory_space<hbm>>
      %dma_wait3A_27 = tpu.memref_squeeze %dma_wait3A_26 : memref<1x2048xi32, #tpu.memory_space<hbm>> -> memref<2048xi32, #tpu.memory_space<hbm>>
      %dma_wait3A_28 = arith.constant 0 : i32
      %dma_wait3A_29 = tpu.memref_slice %arg3[%add3A, %dma_wait3A_28] : memref<16x2048xi32, #tpu.memory_space<hbm>> -> memref<1x2048xi32, #tpu.memory_space<hbm>>
      %dma_wait3A_30 = tpu.memref_squeeze %dma_wait3A_29 : memref<1x2048xi32, #tpu.memory_space<hbm>> -> memref<2048xi32, #tpu.memory_space<hbm>>
      tpu.wait_dma2 semaphore(%arg16 : memref<!tpu.dma_semaphore, #tpu.memory_space<semaphore_mem>>) src(%dma_wait3A_30 : memref<2048xi32, #tpu.memory_space<hbm>>) dst(%arg10 : memref<2048xi32, #tpu.memory_space<vmem>>)
      %dma_wait3A_31 = arith.constant 0 : i32
      %dma_wait3A_32 = tpu.memref_slice %arg4[%add3A, %dma_wait3A_31] : memref<16x2048xi32, #tpu.memory_space<hbm>> -> memref<1x2048xi32, #tpu.memory_space<hbm>>
      %dma_wait3A_33 = tpu.memref_squeeze %dma_wait3A_32 : memref<1x2048xi32, #tpu.memory_space<hbm>> -> memref<2048xi32, #tpu.memory_space<hbm>>
      %dma_wait3A_34 = arith.constant 0 : i32
      %dma_wait3A_35 = tpu.memref_slice %arg4[%add3A, %dma_wait3A_34] : memref<16x2048xi32, #tpu.memory_space<hbm>> -> memref<1x2048xi32, #tpu.memory_space<hbm>>
      %dma_wait3A_36 = tpu.memref_squeeze %dma_wait3A_35 : memref<1x2048xi32, #tpu.memory_space<hbm>> -> memref<2048xi32, #tpu.memory_space<hbm>>
      tpu.wait_dma2 semaphore(%arg16 : memref<!tpu.dma_semaphore, #tpu.memory_space<semaphore_mem>>) src(%dma_wait3A_36 : memref<2048xi32, #tpu.memory_space<hbm>>) dst(%arg11 : memref<2048xi32, #tpu.memory_space<vmem>>)
      %iota3A = tpu.iota {dimensions = array<i32: 0>} : vector<16xi32>
      %scan3A = arith.constant 0 : i32
      %scan3A_37 = arith.constant 0 : i32
      %scan3A_38 = arith.constant 128 : i32
      %scan3A_39 = arith.addi %scan3A_37, %scan3A_38 : i32
      %scan3A_40 = arith.constant 1 : i32
      %scan3A_41 = scf.for %scan3A_98 = %scan3A_37 to %scan3A_39 step %scan3A_40 iter_args(%scan3A_99 = %scan3A) -> (i32)  : i32 {
        %mul3A_100 = arith.constant 16 : i32
        %mul3A_101 = arith.muli %scan3A_98, %mul3A_100 : i32
        %get3A = arith.index_cast %mul3A_101 : i32 to index
        %get3A_102 = tpu.vector_load %arg10[%get3A] {strides = array<i32>} : memref<2048xi32, #tpu.memory_space<vmem>>, vector<16xi32>,
        %get3A_103 = arith.index_cast %mul3A_101 : i32 to index
        %get3A_104 = tpu.vector_load %arg9[%get3A_103] {strides = array<i32>} : memref<2048xi32, #tpu.memory_space<vmem>>, vector<16xi32>,
        %get3A_105 = arith.index_cast %mul3A_101 : i32 to index
        %get3A_106 = tpu.vector_load %arg11[%get3A_105] {strides = array<i32>} : memref<2048xi32, #tpu.memory_space<vmem>>, vector<16xi32>,
        %shift_right_logical3A = arith.constant 2 : i32
        %shift_right_logical3A_107 = vector.broadcast %shift_right_logical3A : i32 to vector<16xi32>
        %shift_right_logical3A_108 = arith.shrui %get3A_102, %shift_right_logical3A_107 : vector<16xi32>
        %broadcast_in_dim3A = arith.constant true
        %broadcast_in_dim3A_109 = vector.broadcast %broadcast_in_dim3A : i1 to vector<16xi1>
        %masked_cumsum3A = tpu.scan <sum>, %shift_right_logical3A_108 masked %broadcast_in_dim3A_109 : vector<16xi32>, vector<16xi1> -> vector<16xi32>
        %add3A_110 = vector.broadcast %scan3A_99 : i32 to vector<16xi32>
        %add3A_111 = arith.addi %add3A_110, %masked_cumsum3A : vector<16xi32>
        %gt3A = arith.constant 0 : i32
        %gt3A_112 = vector.broadcast %gt3A : i32 to vector<16xi32>
        %gt3A_113 = arith.cmpi sgt, %shift_right_logical3A_108, %gt3A_112 : vector<16xi32>
        %le3A = arith.constant 320 : i32
        %le3A_114 = vector.broadcast %le3A : i32 to vector<16xi32>
        %le3A_115 = arith.cmpi sle, %add3A_111, %le3A_114 : vector<16xi32>
        %and3A = arith.andi %gt3A_113, %le3A_115 : vector<16xi1>
        %and3A_116 = arith.constant 3 : i32
        %and3A_117 = vector.broadcast %and3A_116 : i32 to vector<16xi32>
        %and3A_118 = arith.andi %get3A_102, %and3A_117 : vector<16xi32>
        %eq3A = arith.constant 0 : i32
        %eq3A_119 = vector.broadcast %eq3A : i32 to vector<16xi32>
        %eq3A_120 = arith.cmpi eq, %and3A_118, %eq3A_119 : vector<16xi32>
        %eq3A_121 = arith.constant 1 : i32
        %eq3A_122 = vector.broadcast %eq3A_121 : i32 to vector<16xi32>
        %eq3A_123 = arith.cmpi eq, %and3A_118, %eq3A_122 : vector<16xi32>
        %select_n3A = arith.select %eq3A_123, %get3A_106, %get3A_104 : vector<16xi1>, vector<16xi32>
        %jit3A = arith.constant 0 : i32
        %broadcast_in_dim3A_124 = vector.broadcast %jit3A : i32 to vector<16xi32>
        %select_n3A_125 = arith.select %eq3A_120, %broadcast_in_dim3A_124, %select_n3A : vector<16xi1>, vector<16xi32>
        %select_n3A_126 = arith.select %and3A, %select_n3A_125, %get3A_104 : vector<16xi1>, vector<16xi32>
        %swap3A = arith.index_cast %mul3A_101 : i32 to index
        %swap3A_127 = tpu.vector_load %arg12[%swap3A] {strides = array<i32>} : memref<2048xi32, #tpu.memory_space<vmem>>, vector<16xi32>,
        tpu.vector_store %arg12[%swap3A], %select_n3A_126 {strides = array<i32>} : memref<2048xi32, #tpu.memory_space<vmem>>, vector<16xi32>,
        %sub3A = arith.constant 1 : i32
        %sub3A_128 = vector.broadcast %sub3A : i32 to vector<16xi32>
        %sub3A_129 = arith.subi %add3A_111, %sub3A_128 : vector<16xi32>
        %add3A_130 = vector.broadcast %mul3A_101 : i32 to vector<16xi32>
        %add3A_131 = arith.addi %add3A_130, %iota3A : vector<16xi32>
        tpu.vector_store_idx %arg13[%sub3A_129], %add3A_131 masked %and3A : memref<320xi32, #tpu.memory_space<vmem>>[vector<16xi32>], vector<16xi32>, vector<16xi1>
        tpu.vector_store_idx %arg14[%sub3A_129], %get3A_104 masked %and3A : memref<320xi32, #tpu.memory_space<vmem>>[vector<16xi32>], vector<16xi32>, vector<16xi1>
        %reduce_max3A = arith.constant true
        %reduce_max3A_132 = vector.broadcast %reduce_max3A : i1 to vector<16xi1>
        %reduce_max3A_133 = arith.constant -2147483648 : i32
        %reduce_max3A_134 = vector.broadcast %reduce_max3A_133 : i32 to vector<16xi32>
        %reduce_max3A_135 = arith.xori %masked_cumsum3A, %reduce_max3A_134 : vector<16xi32>
        %reduce_max3A_136 = tpu.scan <max>, %reduce_max3A_135 masked %reduce_max3A_132 : vector<16xi32>, vector<16xi1> -> vector<16xi32>
        %reduce_max3A_137 = arith.xori %reduce_max3A_136, %reduce_max3A_134 : vector<16xi32>
        %reduce_max3A_138 = vector.extract %reduce_max3A_137[15] : i32 from vector<16xi32>
        %add3A_139 = arith.addi %scan3A_99, %reduce_max3A_138 : i32
        scf.yield %add3A_139 : i32
      }
      %scan3A_42 = arith.constant 128 : i32
      %min3A = arith.constant 320 : i32
      %min3A_43 = arith.minsi %scan3A_41, %min3A : i32
      %scan3A_44 = arith.constant 0 : i32
      %scan3A_45 = arith.constant 0 : i32
      %scan3A_46 = arith.constant 20 : i32
      %scan3A_47 = arith.addi %scan3A_45, %scan3A_46 : i32
      %scan3A_48 = arith.constant 1 : i32
      scf.for %scan3A_98 = %scan3A_45 to %scan3A_47 step %scan3A_48  : i32 {
        %mul3A_99 = arith.constant 16 : i32
        %mul3A_100 = arith.muli %scan3A_98, %mul3A_99 : i32
        %add3A_101 = vector.broadcast %mul3A_100 : i32 to vector<16xi32>
        %add3A_102 = arith.addi %add3A_101, %iota3A : vector<16xi32>
        %lt3A_103 = vector.broadcast %min3A_43 : i32 to vector<16xi32>
        %lt3A_104 = arith.cmpi slt, %add3A_102, %lt3A_103 : vector<16xi32>
        %convert_element_type3A_105 = arith.extui %lt3A_104 : vector<16xi1> to vector<16xi32>
        %swap3A = arith.index_cast %mul3A_100 : i32 to index
        %swap3A_106 = tpu.vector_load %arg15[%swap3A] {strides = array<i32>} : memref<320xi32, #tpu.memory_space<vmem>>, vector<16xi32>,
        tpu.vector_store %arg15[%swap3A], %convert_element_type3A_105 {strides = array<i32>} : memref<320xi32, #tpu.memory_space<vmem>>, vector<16xi32>,
        %get3A = arith.index_cast %mul3A_100 : i32 to index
        %get3A_107 = tpu.vector_load %arg13[%get3A] {strides = array<i32>} : memref<320xi32, #tpu.memory_space<vmem>>, vector<16xi32>,
        %mul3A_108 = arith.muli %get3A_107, %convert_element_type3A_105 : vector<16xi32>
        %swap3A_109 = arith.index_cast %mul3A_100 : i32 to index
        %swap3A_110 = tpu.vector_load %arg13[%swap3A_109] {strides = array<i32>} : memref<320xi32, #tpu.memory_space<vmem>>, vector<16xi32>,
        tpu.vector_store %arg13[%swap3A_109], %mul3A_108 {strides = array<i32>} : memref<320xi32, #tpu.memory_space<vmem>>, vector<16xi32>,
        %get3A_111 = arith.index_cast %mul3A_100 : i32 to index
        %get3A_112 = tpu.vector_load %arg14[%get3A_111] {strides = array<i32>} : memref<320xi32, #tpu.memory_space<vmem>>, vector<16xi32>,
        %mul3A_113 = arith.muli %get3A_112, %convert_element_type3A_105 : vector<16xi32>
        %swap3A_114 = arith.index_cast %mul3A_100 : i32 to index
        %swap3A_115 = tpu.vector_load %arg14[%swap3A_114] {strides = array<i32>} : memref<320xi32, #tpu.memory_space<vmem>>, vector<16xi32>,
        tpu.vector_store %arg14[%swap3A_114], %mul3A_113 {strides = array<i32>} : memref<320xi32, #tpu.memory_space<vmem>>, vector<16xi32>,
      }
      %scan3A_49 = arith.constant 20 : i32
      %dma_start3A_50 = arith.constant 0 : i32
      %dma_start3A_51 = tpu.memref_slice %arg5[%add3A, %dma_start3A_50] : memref<16x2048xi32, #tpu.memory_space<hbm>> -> memref<1x2048xi32, #tpu.memory_space<hbm>>
      %dma_start3A_52 = tpu.memref_squeeze %dma_start3A_51 : memref<1x2048xi32, #tpu.memory_space<hbm>> -> memref<2048xi32, #tpu.memory_space<hbm>>
      %dma_start3A_53 = arith.constant 0 : i32
      %dma_start3A_54 = tpu.memref_slice %arg5[%add3A, %dma_start3A_53] : memref<16x2048xi32, #tpu.memory_space<hbm>> -> memref<1x2048xi32, #tpu.memory_space<hbm>>
      %dma_start3A_55 = tpu.memref_squeeze %dma_start3A_54 : memref<1x2048xi32, #tpu.memory_space<hbm>> -> memref<2048xi32, #tpu.memory_space<hbm>>
      tpu.enqueue_dma source(%arg12 : memref<2048xi32, #tpu.memory_space<vmem>>) target(%dma_start3A_55 : memref<2048xi32, #tpu.memory_space<hbm>>) target_semaphore(%arg16 : memref<!tpu.dma_semaphore, #tpu.memory_space<semaphore_mem>>)
      %dma_start3A_56 = arith.constant 0 : i32
      %dma_start3A_57 = tpu.memref_slice %arg6[%add3A, %dma_start3A_56] : memref<16x320xi32, #tpu.memory_space<hbm>> -> memref<1x320xi32, #tpu.memory_space<hbm>>
      %dma_start3A_58 = tpu.memref_squeeze %dma_start3A_57 : memref<1x320xi32, #tpu.memory_space<hbm>> -> memref<320xi32, #tpu.memory_space<hbm>>
      %dma_start3A_59 = arith.constant 0 : i32
      %dma_start3A_60 = tpu.memref_slice %arg6[%add3A, %dma_start3A_59] : memref<16x320xi32, #tpu.memory_space<hbm>> -> memref<1x320xi32, #tpu.memory_space<hbm>>
      %dma_start3A_61 = tpu.memref_squeeze %dma_start3A_60 : memref<1x320xi32, #tpu.memory_space<hbm>> -> memref<320xi32, #tpu.memory_space<hbm>>
      tpu.enqueue_dma source(%arg13 : memref<320xi32, #tpu.memory_space<vmem>>) target(%dma_start3A_61 : memref<320xi32, #tpu.memory_space<hbm>>) target_semaphore(%arg16 : memref<!tpu.dma_semaphore, #tpu.memory_space<semaphore_mem>>)
      %dma_start3A_62 = arith.constant 0 : i32
      %dma_start3A_63 = tpu.memref_slice %arg7[%add3A, %dma_start3A_62] : memref<16x320xi32, #tpu.memory_space<hbm>> -> memref<1x320xi32, #tpu.memory_space<hbm>>
      %dma_start3A_64 = tpu.memref_squeeze %dma_start3A_63 : memref<1x320xi32, #tpu.memory_space<hbm>> -> memref<320xi32, #tpu.memory_space<hbm>>
      %dma_start3A_65 = arith.constant 0 : i32
      %dma_start3A_66 = tpu.memref_slice %arg7[%add3A, %dma_start3A_65] : memref<16x320xi32, #tpu.memory_space<hbm>> -> memref<1x320xi32, #tpu.memory_space<hbm>>
      %dma_start3A_67 = tpu.memref_squeeze %dma_start3A_66 : memref<1x320xi32, #tpu.memory_space<hbm>> -> memref<320xi32, #tpu.memory_space<hbm>>
      tpu.enqueue_dma source(%arg14 : memref<320xi32, #tpu.memory_space<vmem>>) target(%dma_start3A_67 : memref<320xi32, #tpu.memory_space<hbm>>) target_semaphore(%arg16 : memref<!tpu.dma_semaphore, #tpu.memory_space<semaphore_mem>>)
      %dma_start3A_68 = arith.constant 0 : i32
      %dma_start3A_69 = tpu.memref_slice %arg8[%add3A, %dma_start3A_68] : memref<16x320xi32, #tpu.memory_space<hbm>> -> memref<1x320xi32, #tpu.memory_space<hbm>>
      %dma_start3A_70 = tpu.memref_squeeze %dma_start3A_69 : memref<1x320xi32, #tpu.memory_space<hbm>> -> memref<320xi32, #tpu.memory_space<hbm>>
      %dma_start3A_71 = arith.constant 0 : i32
      %dma_start3A_72 = tpu.memref_slice %arg8[%add3A, %dma_start3A_71] : memref<16x320xi32, #tpu.memory_space<hbm>> -> memref<1x320xi32, #tpu.memory_space<hbm>>
      %dma_start3A_73 = tpu.memref_squeeze %dma_start3A_72 : memref<1x320xi32, #tpu.memory_space<hbm>> -> memref<320xi32, #tpu.memory_space<hbm>>
      tpu.enqueue_dma source(%arg15 : memref<320xi32, #tpu.memory_space<vmem>>) target(%dma_start3A_73 : memref<320xi32, #tpu.memory_space<hbm>>) target_semaphore(%arg16 : memref<!tpu.dma_semaphore, #tpu.memory_space<semaphore_mem>>)
      %dma_wait3A_74 = arith.constant 0 : i32
      %dma_wait3A_75 = tpu.memref_slice %arg5[%add3A, %dma_wait3A_74] : memref<16x2048xi32, #tpu.memory_space<hbm>> -> memref<1x2048xi32, #tpu.memory_space<hbm>>
      %dma_wait3A_76 = tpu.memref_squeeze %dma_wait3A_75 : memref<1x2048xi32, #tpu.memory_space<hbm>> -> memref<2048xi32, #tpu.memory_space<hbm>>
      %dma_wait3A_77 = arith.constant 0 : i32
      %dma_wait3A_78 = tpu.memref_slice %arg5[%add3A, %dma_wait3A_77] : memref<16x2048xi32, #tpu.memory_space<hbm>> -> memref<1x2048xi32, #tpu.memory_space<hbm>>
      %dma_wait3A_79 = tpu.memref_squeeze %dma_wait3A_78 : memref<1x2048xi32, #tpu.memory_space<hbm>> -> memref<2048xi32, #tpu.memory_space<hbm>>
      tpu.wait_dma2 semaphore(%arg16 : memref<!tpu.dma_semaphore, #tpu.memory_space<semaphore_mem>>) src(%arg12 : memref<2048xi32, #tpu.memory_space<vmem>>) dst(%dma_wait3A_79 : memref<2048xi32, #tpu.memory_space<hbm>>)
      %dma_wait3A_80 = arith.constant 0 : i32
      %dma_wait3A_81 = tpu.memref_slice %arg6[%add3A, %dma_wait3A_80] : memref<16x320xi32, #tpu.memory_space<hbm>> -> memref<1x320xi32, #tpu.memory_space<hbm>>
      %dma_wait3A_82 = tpu.memref_squeeze %dma_wait3A_81 : memref<1x320xi32, #tpu.memory_space<hbm>> -> memref<320xi32, #tpu.memory_space<hbm>>
      %dma_wait3A_83 = arith.constant 0 : i32
      %dma_wait3A_84 = tpu.memref_slice %arg6[%add3A, %dma_wait3A_83] : memref<16x320xi32, #tpu.memory_space<hbm>> -> memref<1x320xi32, #tpu.memory_space<hbm>>
      %dma_wait3A_85 = tpu.memref_squeeze %dma_wait3A_84 : memref<1x320xi32, #tpu.memory_space<hbm>> -> memref<320xi32, #tpu.memory_space<hbm>>
      tpu.wait_dma2 semaphore(%arg16 : memref<!tpu.dma_semaphore, #tpu.memory_space<semaphore_mem>>) src(%arg13 : memref<320xi32, #tpu.memory_space<vmem>>) dst(%dma_wait3A_85 : memref<320xi32, #tpu.memory_space<hbm>>)
      %dma_wait3A_86 = arith.constant 0 : i32
      %dma_wait3A_87 = tpu.memref_slice %arg7[%add3A, %dma_wait3A_86] : memref<16x320xi32, #tpu.memory_space<hbm>> -> memref<1x320xi32, #tpu.memory_space<hbm>>
      %dma_wait3A_88 = tpu.memref_squeeze %dma_wait3A_87 : memref<1x320xi32, #tpu.memory_space<hbm>> -> memref<320xi32, #tpu.memory_space<hbm>>
      %dma_wait3A_89 = arith.constant 0 : i32
      %dma_wait3A_90 = tpu.memref_slice %arg7[%add3A, %dma_wait3A_89] : memref<16x320xi32, #tpu.memory_space<hbm>> -> memref<1x320xi32, #tpu.memory_space<hbm>>
      %dma_wait3A_91 = tpu.memref_squeeze %dma_wait3A_90 : memref<1x320xi32, #tpu.memory_space<hbm>> -> memref<320xi32, #tpu.memory_space<hbm>>
      tpu.wait_dma2 semaphore(%arg16 : memref<!tpu.dma_semaphore, #tpu.memory_space<semaphore_mem>>) src(%arg14 : memref<320xi32, #tpu.memory_space<vmem>>) dst(%dma_wait3A_91 : memref<320xi32, #tpu.memory_space<hbm>>)
      %dma_wait3A_92 = arith.constant 0 : i32
      %dma_wait3A_93 = tpu.memref_slice %arg8[%add3A, %dma_wait3A_92] : memref<16x320xi32, #tpu.memory_space<hbm>> -> memref<1x320xi32, #tpu.memory_space<hbm>>
      %dma_wait3A_94 = tpu.memref_squeeze %dma_wait3A_93 : memref<1x320xi32, #tpu.memory_space<hbm>> -> memref<320xi32, #tpu.memory_space<hbm>>
      %dma_wait3A_95 = arith.constant 0 : i32
      %dma_wait3A_96 = tpu.memref_slice %arg8[%add3A, %dma_wait3A_95] : memref<16x320xi32, #tpu.memory_space<hbm>> -> memref<1x320xi32, #tpu.memory_space<hbm>>
      %dma_wait3A_97 = tpu.memref_squeeze %dma_wait3A_96 : memref<1x320xi32, #tpu.memory_space<hbm>> -> memref<320xi32, #tpu.memory_space<hbm>>
      tpu.wait_dma2 semaphore(%arg16 : memref<!tpu.dma_semaphore, #tpu.memory_space<semaphore_mem>>) src(%arg15 : memref<320xi32, #tpu.memory_space<vmem>>) dst(%dma_wait3A_97 : memref<320xi32, #tpu.memory_space<hbm>>)
    } else {
    }
    return
  }
}

</mosaic_0001>

<sc_bundles>
// kernel: kernel.5.cloned.1.call-start
scs
__scs_entry_jumppad:
0x0: {  	(pc) =	sbr.rel $0x88, $3  }
0x1: {  	(tag) =	ssettag $0x0;
	lr =	simm.s32 $0x1  }
0x2: {  	[smem:$0x3FA0] =	sst lr;
	_ =	strace $0xD0000000  }
0x3: {  	_ = 	snop  }
0x4: {  	_ = 	snop  }
0x5: {  	_ = 	snop  }
0x6: {  	_ = 	snop  }
0x7: {  	_ = 	snop  }
__scs_overlays_trampoline_lowered:
0x8: {  	[smem:$0x3FAF] =	sst s0  }
0x9: {  	[smem:$0x3FB0] =	sst s1  }
0xa: {  	[smem:$0x3FB1] =	sst s2  }
0xb: {  	[smem:$0x3FB2] =	sst s3  }
0xc: {  	[smem:$0x3FB3] =	sst s4  }
0xd: {  	[smem:$0x3FB4] =	sst s5  }
0xe: {  	[smem:$0x3FB5] =	sst s6  }
0xf: {  	[smem:$0x3FB6] =	sst s7  }
0x10: {  	[smem:$0x3FB7] =	sst s8  }
0x11: {  	[smem:$0x3FB8] =	sst s9;
	s0 =	simm.s32 @!p0 $0x0  }
0x12: {  	s1 =	sld [smem:$0x3F9E];
	s0 =	simm.s32 @p0 $0x1  }
0x13: {  	[smem:$0x3FB9] =	sst s0;
	s0 =	simm.s32 @!p1 $0x0  }
0x14: {  	s2 =	sld [smem:$0x3F9D];
	s0 =	simm.s32 @p1 $0x1  }
0x15: {  	[smem:$0x3FBA] =	sst s0;
	s0 =	simm.s32 @!p2 $0x0  }
0x16: {  	s3 =	sld [smem:$0x3FDB];
	s0 =	simm.s32 @p2 $0x1  }
0x17: {  	s4 =	simm.s32 $0x1BF5;
	[smem:$0x3FBC] =	sst s0  }
0x18: {  	s0 =	sld [smem:$0x3F9F];
	_ =	swait.ge [sflag:s4], $0x0  }
0x19: {  	s7 =	sld [smem:$0x3FA0]  }
0x1a: {  	s8 =	sadd.s32 $0xFFFFE003, lr  }
0x1b: {  	s9 =	sadd.s32 $0xFFFFFEF7, lr;
	s5 =	simm.s32 $0xFFFFFFFF;
	p2 =	slt.u32 s8, $0xFFFFF086  }
0x1c: {  	p1 =	slt.u32 s9, $0xF7A;
	s5 =	simm.s32 @!p2 $0x0  }
0x1d: {  	s5 =	simm.s32 @p1 $0x1;
	p0 =	seq.s32 s7, s2  }
0x1e: {  	s7 =	smul.u32 @!p0 $0xF7A, s2;
	p2 =	seq.s32 @!p0 s5, $0x0  }
0x1f: {  	s9 =	smul.u32 $0xF7A, s1;
	s8 =	simm.s32 @!p0 $0x1BF5;
	p2 =	por !p2, p0  }
0x20: {  	[sflag:s8] =	ssyncset.s32 @!p0 $0xFFFFF086;
	s6 =	sadd.s32 @!p0 s3, s7;
	s7 =	simm.s32 @!p0 $0x108  }
0x21: {  	s3 =	sadd.s32 s3, s9;
	s6 =	sadd.s32 @!p0 $0x88, s6;
	s7 =	simm.s32 @p2 $0x1082  }
0x22: {  	[simem:s7], [sflag:s8] =	dma.local @!p0 [hbm:s6], $0xF7A  }
0x23: {  	s9 =	sor.u32 $0xD0000000, s2;
	s6 =	simm.s32 $0x108;
	_ =	swait.ge @!p0 [sflag:s8], $0x0  }
0x24: {  	s3 =	sadd.s32 $0x88, s3;
	s6 =	simm.s32 @!p1 $0x1082;
	[sflag:s4] =	ssyncset.s32 $0xFFFFF086  }
0x25: {  	[simem:s6], [sflag:s4] =	dma.local [hbm:s3], $0xF7A  }
0x26: {  	[smem:$0x3FA0] =	sst s1;
	(tag) =	ssettag s2;
	_ =	strace s9  }
0x27: {  	s1 =	sld [smem:$0x3FB0]  }
0x28: {  	s2 =	sld [smem:$0x3FB1]  }
0x29: {  	s4 =	sld [smem:$0x3FB3]  }
0x2a: {  	p0 =	seq.s32 s5, $0x0;
	s5 =	sld [smem:$0x3FB4]  }
0x2b: {  	s6 =	sld [smem:$0x3FB5]  }
0x2c: {  	s7 =	sld [smem:$0x3FB6]  }
0x2d: {  	s3 =	simm.s32 $0x108;
	s8 =	sld [smem:$0x3FB7]  }
0x2e: {  	s3 =	simm.s32 @!p0 $0x1082;
	s9 =	sld [smem:$0x3FB8]  }
0x2f: {  	lr =	sadd.s32 s0, s3;
	s0 =	sld [smem:$0x3FAF]  }
0x30: {  	s3 =	sld [smem:$0x3FB2]  }
0x31: {  	[smem:$0x3FBB] =	sst s10  }
0x32: {  	s10 =	sld [smem:$0x3FB9];
	_ =	sdelay $0x3  }
0x33: {  	p0 =	seq.s32 s10, $0x1;
	s10 =	sld [smem:$0x3FBB];
	_ =	sdelay $0x3  }
0x34: {  	[smem:$0x3FBB] =	sst s10  }
0x35: {  	s10 =	sld [smem:$0x3FBA];
	_ =	sdelay $0x3  }
0x36: {  	p1 =	seq.s32 s10, $0x1;
	s10 =	sld [smem:$0x3FBB];
	_ =	sdelay $0x3  }
0x37: {  	[smem:$0x3FBB] =	sst s10  }
0x38: {  	s10 =	sld [smem:$0x3FBC]  }
0x39: {  	_ = 	snop;
	(pc) =	sbr.ind lr, $3  }
0x3a: {  	_ = 	snop  }
0x3b: {  	_ = 	snop  }
0x3c: {  	p2 =	seq.s32 s10, $0x1;
	s10 =	sld [smem:$0x3FBB]  }
0x3d: {  	_ =	shalt  }
0x3e: {  	_ =	shalt  }
0x3f: {  	_ =	shalt  }
0x40: {  	_ =	shalt  }
0x41: {  	_ =	shalt  }
0x42: {  	_ =	shalt  }
0x43: {  	_ =	shalt  }
0x44: {  	_ =	shalt  }
0x45: {  	_ =	shalt  }
0x46: {  	_ =	shalt  }
0x47: {  	_ =	shalt  }
0x48: {  	_ =	shalt  }
0x49: {  	_ =	shalt  }
0x4a: {  	_ =	shalt  }
0x4b: {  	_ =	shalt  }
0x4c: {  	_ =	shalt  }
0x4d: {  	_ =	shalt  }
0x4e: {  	_ =	shalt  }
0x4f: {  	_ =	shalt  }
0x50: {  	_ =	shalt  }
0x51: {  	_ =	shalt  }
0x52: {  	_ =	shalt  }
0x53: {  	_ =	shalt  }
0x54: {  	_ =	shalt  }
0x55: {  	_ =	shalt  }
0x56: {  	_ =	shalt  }
0x57: {  	_ =	shalt  }
0x58: {  	_ =	shalt  }
0x59: {  	_ =	shalt  }
0x5a: {  	_ =	shalt  }
0x5b: {  	_ =	shalt  }
0x5c: {  	_ =	shalt  }
0x5d: {  	_ =	shalt  }
0x5e: {  	_ =	shalt  }
0x5f: {  	_ =	shalt  }
0x60: {  	_ =	shalt  }
0x61: {  	_ =	shalt  }
0x62: {  	_ =	shalt  }
0x63: {  	_ =	shalt  }
0x64: {  	_ =	shalt  }
0x65: {  	_ =	shalt  }
0x66: {  	_ =	shalt  }
0x67: {  	_ =	shalt  }
0x68: {  	_ =	shalt  }
0x69: {  	_ =	shalt  }
0x6a: {  	_ =	shalt  }
0x6b: {  	_ =	shalt  }
0x6c: {  	_ =	shalt  }
0x6d: {  	_ =	shalt  }
0x6e: {  	_ =	shalt  }
0x6f: {  	_ =	shalt  }
0x70: {  	_ =	shalt  }
0x71: {  	_ =	shalt  }
0x72: {  	_ =	shalt  }
0x73: {  	_ =	shalt  }
0x74: {  	_ =	shalt  }
0x75: {  	_ =	shalt  }
0x76: {  	_ =	shalt  }
0x77: {  	_ =	shalt  }
0x78: {  	_ =	shalt  }
0x79: {  	_ =	shalt  }
0x7a: {  	_ =	shalt  }
0x7b: {  	_ =	shalt  }
0x7c: {  	_ =	shalt  }
0x7d: {  	_ =	shalt  }
0x7e: {  	_ =	shalt  }
0x7f: {  	_ =	shalt  }
0x80: {  	_ =	shalt  }
0x81: {  	_ =	shalt  }
0x82: {  	_ =	shalt  }
0x83: {  	_ =	shalt  }
0x84: {  	_ =	shalt  }
0x85: {  	_ =	shalt  }
0x86: {  	_ =	shalt  }
0x87: {  	_ =	shalt  }
.Lfunc_end0:
.L_simem_size_0:
called_computation_lowered:
.L_overlay_start_0:
0x88: {  	s2 =	sld [smem:$0x3FD9]  }
0x89: {  	s3 =	sld [smem:$0x3FFE];
	_ =	sdelay $0x1  }
0x8a: {  	s1 =	srdreg.scid  }
0x8b: {  	s0 =	sand.u32 $0x1, s1  }
0x8c: {  	s14 =	sshll.u32 s0, $0xA;
	s2 =	sadd.s32 s3, s2  }
0x8d: {  	s2 =	sadd.s32 s2, s14  }
0x8e: {  	[smem:$0x3FC7] =	sst s2  }
0x8f: {  	_ = 	snop  }
0x90: {  	s2 =	sld [smem:$0x3FD0];
	_ =	sdelay $0x2  }
0x91: {  	s4 =	simm.s32 $0xA;
	s5 =	simm.s32 $0x10;
	s15 =	sld [smem:$0x3FC9]  }
0x92: {  	[smem:s5], [sflag:s4] =	dma.local [hbm:s2], $0x1  }
0x93: {  	_ =	swait.eq [sflag:s4], $0x1  }
0x94: {  	s16 =	sld [smem:$0x10]  }
0x95: {  	s17 =	sld [smem:$0x11];
	[sflag:s4] =	ssyncset.done $0x0  }
0x96: {  	s6 =	sld [smem:$0x12];
	[sflag:s4] =	ssyncadd.s32 $0xFFFFFFFF  }
0x97: {  	s18 =	sld [smem:$0x13];
	(tm) =	ssettm $0x1  }
0x98: {  	s7 =	sld [smem:$0x3FFB];
	_ =	sdelay $0x3  }
0x99: {  	_ =	strace s7  }
0x9a: {  	s7 =	sld [smem:$0x3FFC];
	_ =	sdelay $0x3  }
0x9b: {  	_ =	strace s7  }
0x9c: {  	s7 =	sld [smem:$0x3FFD];
	_ =	sdelay $0x3  }
0x9d: {  	_ =	strace s7  }
0x9e: {  	_ =	strace $0x8FFFFFFF  }
0x9f: {  	s19 =	sld [smem:$0x3FDB];
	_ =	sdelay $0x1  }
0xa0: {  	s8 =	simm.s32 $_scs_section_size  }
0xa1: {  	s9 =	simm.s32 $_size__tile_overlayer_lowered;
	s10 =	simm.s32 $_tile_overlayer_lowered  }
0xa2: {  	s22 =	simm.s32 $0x1BFF;
	s21 =	sshll.u32 s10, $0x1;
	s7 =	sadd.s32 s8, s19  }
0xa3: {  	s11 =	simm.s32 $0x0;
	s20 =	sshll.u32 s9, $0x1;
	s9 =	sadd.s32 s21, s7  }
0xa4: {  	[timem:s11], [sflag:s22] =	dma.local [hbm:s9], s20  }
0xa5: {  	_ =	swait.ge [sflag:s22], s20  }
0xa6: {  	s8 =	ssub.s32 $0x0, s20;
	[sflag:s22] =	ssyncset.done $0x0  }
0xa7: {  	[sflag:s22] =	ssyncadd.s32 s8;
	_ =	sdelay $0x1  }
0xa8: {  	s23 =	simm.s32 $0x1B8B  }
0xa9: {  	_ =	swait.ge [sflag:s23], $0x1  }
0xaa: {  	[sflag:s23] =	ssyncset.done $0x0  }
0xab: {  	s25 =	simm.s32 $0x1B8E;
	s24 =	sld [smem:$0x3FFE];
	[sflag:s23] =	ssyncadd.s32 $0xFFFFFFFF  }
0xac: {  	s26 =	simm.s32 $execute0_lowered;
	[smem:$0x3FD2] =	sst s25  }
0xad: {  	s9 =	sshll.u32 s26, $0x1;
	_ =	strace $0x80000046;
	[dreg:$0x1] =	wrdreg $0xFFFFFFFF  }
0xae: {  	s28 =	simm.s32 $_size_execute0_lowered;
	s7 =	sadd.s32 s7, s9;
	[dreg:$0x0] =	wrdreg $0x0  }
0xaf: {  	s9 =	sshll.u32 s28, $0x1;
	[dreg:$0x2] =	wrdreg s7  }
0xb0: {  	[dreg:$0x3] =	wrdreg s9  }
0xb1: {  	[dreg:$0x4] =	wrdreg $0xC0  }
0xb2: {  	_ =	task [dreg:s11], $0x5FFFF  }
0xb3: {  	[dreg:$0x1] =	wrdreg $0xFFFFFFFF  }
0xb4: {  	[dreg:$0x0] =	wrdreg $0x60  }
0xb5: {  	[dreg:$0x2] =	wrdreg s15  }
0xb6: {  	[dreg:$0x3] =	wrdreg s24  }
0xb7: {  	[dreg:$0x4] =	wrdreg s16  }
0xb8: {  	[dreg:$0x5] =	wrdreg s17  }
0xb9: {  	[dreg:$0x6] =	wrdreg s6  }
0xba: {  	[dreg:$0x7] =	wrdreg s18  }
0xbb: {  	[dreg:$0x8] =	wrdreg $0x9  }
0xbc: {  	_ =	task.clear_ibuf [dreg:s11], $0x9FFFF;
	_ =	strace $0x90000046  }
0xbd: {  	s29 =	simm.s32 $0x9;
	_ =	strace $0x80000048  }
0xbe: {  	_ =	swait.ge [sflag:s29], $0x1  }
0xbf: {  	[sflag:s29] =	ssyncadd.s32 $0xFFFFFFFF  }
0xc0: {  	_ =	strace $0x90000048  }
0xc1: {  	_ =	sfence  }
0xc2: {  	s30 =	sld [smem:$0x0];
	_ =	sdelay $0x2  }
0xc3: {  	s31 =	sshll.u32 s1, $0xD;
	s1 =	sshrl.u32 s1, $0x2  }
0xc4: {  	s3 =	sand.u32 $0x4000, s31;
	s1 =	sadd.s32 s1, s30  }
0xc5: {  	s0 =	sor.u32 s3, s0;
	s1 =	sshll.u32 s1, $0x11  }
0xc6: {  	s0 =	sor.u32 s1, s0  }
0xc7: {  	s0 =	sadd.s32 $0x8F2B, s0  }
0xc8: {  	[sflag:s0] =	ssyncadd.remote.s32 $0x1  }
0xc9: {  	_ =	sfence.sel $0xFFFF  }
0xca: {  	[dreg:$0x0] =	wrdreg $0xFFFFFFFF;
	(pc) =	sbr.abs _section_cstart, $3  }
0xcb: {  	[dreg:$0x1] =	wrdreg $0xFFFFFFFF  }
0xcc: {  	_ =	task.clear_ibuf [dreg:s11], $0x2FFFF;
	_ =	strace $0x9FFFFFFF  }
0xcd: {  	(tm) =	ssettm $0x7FFFFFFF  }
tec
execute0_lowered:
.L_overlay_start_1:
0x0: {  	(tag) =	ssettag $0x1  }
0x1: {  	s9 =	rddreg [dreg:$0x0]  }
0x2: {  	s7 =	rddreg [dreg:$0x1];
	s1 =	stileid.u32  }
0x3: {  	s3 =	rddreg [dreg:$0x2];
	p0 =	sgt.u32 s1, $0x7  }
.Ltmp0:
0x4: {  	s4 =	rddreg [dreg:$0x3];
	(pc) =	sbr.rel @p0 .LBB2_7-.Ltmp0, $4  }
0x5: {  	s5 =	rddreg [dreg:$0x4]  }
0x6: {  	s6 =	rddreg [dreg:$0x5];
	s2 =	simm.s32 $0x0  }
0x7: {  	[smem:$0x7FF] =	sst s2  }
0x8: {  	s0 =	rddreg [dreg:$0x6];
	_ =	strace $0x80000047  }
0x9: {  	s8 =	srdreg.scid;
	s10 =	sshrl.u32 s1, $0x2;
	s11 =	sshll.u32 s1, $0x8  }
0xa: {  	s29 =	sadd.s32 $0x1C00, s7;
	s30 =	sadd.s32 $0x2C00, s7;
	s14 =	simm.s32 $0x2000  }
0xb: {  	s15 =	simm.s32 $0x2180;
	s16 =	simm.s32 $0x1800;
	s8 =	sand.u32 $0x1, s8  }
0xc: {  	s11 =	sand.u32 $0x300, s11;
	s13 =	smul.u32 $0xC00, s10;
	s12 =	sshll.u32 s8, $0x7  }
0xd: {  	s10 =	sshll.u32 s10, $0xE;
	s8 =	ssub.s32 $0x2, s8;
	s11 =	sor.u32 s12, s11  }
0xe: {  	s17 =	simm.s32 $0x2300;
	s31 =	sshrl.u32 s8, $0x1;
	s10 =	sor.u32 s10, s11  }
0xf: {  	s12 =	simm.s32 $0x400;
	s11 =	sor.u32 s13, s11;
	s10 =	sshrl.u32 s10, $0x3  }
0x10: {  	s13 =	simm.s32 $0x1;
	s11 =	sshrl.u32 s11, $0x3;
	s3 =	sadd.s32 s3, s10  }
0x11: {  	s4 =	sadd.s32 s4, s11;
	s5 =	sadd.s32 s5, s11;
	s6 =	sadd.s32 s6, s11  }
0x12: {  	s11 =	ssub.s32 s8, s31;
	s7 =	sadd.s32 s30, s10;
	s8 =	sadd.s32 s29, s10  }
0x13: {  	v0 =	vlaneseq.u32;
	v1 =	vimm.s32 $0x0;
	s9 =	sadd.s32 s9, s10;
	s10 =	smax.u32 s11, $0x1;
	s11 =	simm.s32 $0x80  }
.LBB2_2:
0x14: {  	s18 =	simm.s32 $0x0  }
0x15: {  	[tilespmem:s18], [sflag:$0x1] =	stream.strided.gather [hbm4b:s9+s11], $0x800, s12, s11, $0x38;
	[tilespmem:$0x2480] =	vst v63  }
0x16: {  	s19 =	simm.s32 $0x800  }
0x17: {  	[tilespmem:s19], [sflag:$0x1] =	stream.strided.gather [hbm4b:s8+s11], $0x800, s12, s11, $0x38;
	[tilespmem:$0x2480] =	vst v63  }
0x18: {  	s20 =	simm.s32 $0x1000  }
0x19: {  	[tilespmem:s20], [sflag:$0x1] =	stream.strided.gather [hbm4b:s7+s11], $0x800, s12, s11, $0x38;
	[tilespmem:$0x2480] =	vst v63  }
0x1a: {  	_ =	swait.ge [sflag:s13], $0x800  }
0x1b: {  	[sflag:s13] =	ssyncset.done $0x0  }
0x1c: {  	[sflag:s13] =	ssyncadd.s32 $0xFFFFF800  }
0x1d: {  	_ =	swait.ge [sflag:s13], $0x800  }
0x1e: {  	[sflag:s13] =	ssyncset.done $0x0  }
0x1f: {  	[sflag:s13] =	ssyncadd.s32 $0xFFFFF800  }
0x20: {  	_ =	swait.ge [sflag:s13], $0x800  }
0x21: {  	[sflag:s13] =	ssyncset.done $0x0  }
0x22: {  	[sflag:s13] =	ssyncadd.s32 $0xFFFFF800  }
0x23: {  	v2 =	vld [tilespmem:s19+$0x0];
	_ =	sdelay $0x4  }
0x24: {  	v3 =	vshrl.u32 v2, $0x2  }
0x25: {  	(xrf0) =	vadd.scan.msk.s32 $0xffff, v3;
	_ =	sdelay $0x4  }
0x26: {  	v5 =	vld [tilespmem:s18+$0x0]  }
0x27: {  	v7 =	vld [tilespmem:s20+$0x0];
	v4, _, _ =	vpop (xrf0)  }
0x28: {  	v6 =	vxor.u32 $0x80000000, v4  }
0x29: {  	(xrf0) =	vmax.scan.msk.u32 $0xffff, v6  }
0x2a: {  	v2 =	vand.u32 $0x3, v2;
	v4 =	vadd.s32 s18, v4  }
0x2b: {  	vm0 =	vne.s32 v3, $0x0;
	vm13 =	veq.s32 v2, $0x1;
	vm1 =	vlt.s32 v4, $0x141  }
0x2c: {  	v3 =	vadd.s32 $0xFFFFFFFF, v4;
	v4 =	vsel vm13, v7, v5;
	vm0 =	vmand vm0, vm1;
	_ =	sdelay $0x1  }
0x2d: {  	vm14 =	veq.s32 v2, $0x0  }
0x2e: {  	v2 =	vsel vm14, $0x0, v4;
	v4, _, _ =	vpop (xrf0)  }
0x2f: {  	v2 =	vsel vm0, v2, v5;
	(v2sf) =	vpush v4, $0xF  }
0x30: {  	[tilespmem:s16+$0x0] =	vst v2;
	v2 =	vor.u32 s18, v0  }
0x31: {  	[tilespmem:v3+s14+$0x0] =	vst.idx.msk vm0, v2  }
0x32: {  	s20 =	simm.s32 $0x810;
	[tilespmem:v3+s15+$0x0] =	vst.idx.msk vm0, v5  }
0x33: {  	v3 =	vld [tilespmem:s20+$0x0];
	_ =	sdelay $0x4  }
0x34: {  	s18 =	simm.s32 $0x10;
	v4 =	vshrl.u32 v3, $0x2  }
0x35: {  	s21 =	simm.s32 $0x1010;
	v2 =	vld [tilespmem:s18+$0x0];
	(xrf0) =	vadd.scan.msk.s32 $0xffff, v4  }
0x36: {  	v5 =	vld [tilespmem:s21+$0x0];
	_ =	sdelay $0x2  }
0x37: {  	v3 =	vand.u32 $0x3, v3  }
0x38: {  	s22 =	simm.s32 $0x20;
	vm15 =	veq.s32 v3, $0x1;
	s31 =	spop (v2sf)  }
0x39: {  	s23 =	simm.s32 $0x10;
	s19 =	simm.s32 $0x1800;
	v5 =	vsel vm15, v5, v2;
	v6, _, _ =	vpop (xrf0);
	s24 =	sadd.s32 $0x0, s31  }
.LBB2_3:
0x3a: {  	p0 =	sne.s32 s22, $0x7F0;
	v7 =	vxor.u32 $0x80000000, v6;
	s24 =	sadd.s32 $0x80000000, s24;
	s19 =	sadd.s32 $0x10, s19  }
0x3b: {  	s25 =	smov.u32 s22;
	s22 =	sadd.s32 $0x10, s22;
	v6 =	vadd.s32 s24, v6;
	(xrf0) =	vmax.scan.msk.u32 $0xffff, v7  }
0x3c: {  	vm0 =	vne.s32 v4, $0x0;
	vm2 =	veq.s32 v3, $0x0;
	vm1 =	vlt.s32 v6, $0x141  }
0x3d: {  	v3 =	vsel vm2, $0x0, v5;
	vm0 =	vmand vm0, vm1  }
0x3e: {  	v4 =	vadd.s32 $0xFFFFFFFF, v6;
	v3 =	vsel vm0, v3, v2;
	_ =	sdelay $0x2  }
0x3f: {  	v5, _, _ =	vpop (xrf0)  }
0x40: {  	[tilespmem:s19+$0x0] =	vst v3;
	v3 =	vor.u32 s18, v0;
	(v2sf) =	vpush v5, $0xF;
	s18 =	smov.u32 s25  }
0x41: {  	[tilespmem:v4+s14+$0x0] =	vst.idx.msk vm0, v3  }
0x42: {  	[tilespmem:v4+s15+$0x0] =	vst.idx.msk vm0, v2  }
0x43: {  	s20 =	sadd.s32 $0x10, s20  }
0x44: {  	s23 =	sadd.s32 $0x10, s23;
	v3 =	vld [tilespmem:s20+$0x0]  }
0x45: {  	s21 =	sadd.s32 $0x10, s21;
	v2 =	vld [tilespmem:s23+$0x0]  }
0x46: {  	v5 =	vld [tilespmem:s21+$0x0];
	_ =	sdelay $0x2  }
0x47: {  	v4 =	vshrl.u32 v3, $0x2;
	v3 =	vand.u32 $0x3, v3  }
0x48: {  	vm0 =	veq.s32 v3, $0x1;
	(xrf0) =	vadd.scan.msk.s32 $0xffff, v4  }
0x49: {  	v5 =	vsel vm0, v5, v2  }
.Ltmp1:
0x4a: {  	(pc) =	sbr.rel @p0 .LBB2_3-.Ltmp1, $3  }
0x4b: {  	_ =	sdelay $0x1  }
0x4c: {  	s25 =	spop (v2sf)  }
0x4d: {  	v6, _, _ =	vpop (xrf0);
	s24 =	sadd.s32 s25, s24  }
0x4e: {  	v7 =	vxor.u32 $0x80000000, v6  }
0x4f: {  	(xrf0) =	vmax.scan.msk.u32 $0xffff, v7;
	_ =	sdelay $0x5  }
0x50: {  	v7, _, _ =	vpop (xrf0)  }
0x51: {  	(v2sf) =	vpush v7, $0xF;
	_ =	sdelay $0xb  }
0x52: {  	s20 =	sadd.s32 $0x80000000, s24  }
0x53: {  	v6 =	vadd.s32 s20, v6  }
0x54: {  	vm0 =	vne.s32 v4, $0x0;
	vm1 =	vlt.s32 v6, $0x141  }
0x55: {  	vm1 =	vmand vm0, vm1;
	s21 =	spop (v2sf)  }
0x56: {  	v4 =	vadd.s32 $0xFFFFFFFF, v6;
	s20 =	sadd.s32 s21, s20  }
0x57: {  	vm0 =	veq.s32 v3, $0x0;
	s20 =	sadd.s32 $0x80000000, s20  }
0x58: {  	v3 =	vsel vm0, $0x0, v5;
	p0 =	slt.s32 s20, $0x140  }
0x59: {  	s19 =	sadd.s32 $0x10, s19;
	s30 =	simm.s32 $0x0;
	v3 =	vsel vm1, v3, v2;
	s20 =	simm.s32 @!p0 $0x140  }
0x5a: {  	v6 =	vor.u32 s30, v0;
	v5 =	vor.u32 s18, v0;
	[tilespmem:s19+$0x0] =	vst v3;
	v3 =	vmov s20  }
0x5b: {  	[tilespmem:v4+s14+$0x0] =	vst.idx.msk vm1, v5;
	vm0 =	vlt.s32 v6, v3  }
0x5c: {  	s19 =	simm.s32 $0x2300;
	[tilespmem:v4+s15+$0x0] =	vst.idx.msk vm1, v2;
	v2 =	vsel vm0, $0x1, v1  }
0x5d: {  	s20 =	simm.s32 $0x2000;
	[tilespmem:s19+$0x0] =	vst v2  }
0x5e: {  	v2 =	vld [tilespmem:s20+$0x0];
	_ =	sdelay $0x4  }
0x5f: {  	v2 =	vnsel vm0, $0x0, v2  }
0x60: {  	s18 =	simm.s32 $0x2180;
	[tilespmem:s20+$0x0] =	vst v2  }
0x61: {  	v2 =	vld [tilespmem:s18+$0x0];
	_ =	sdelay $0x2  }
0x62: {  	s31 =	simm.s32 $0x10  }
0x63: {  	v4 =	vor.u32 s31, v0;
	s21 =	simm.s32 $0x20  }
.LBB2_5:
0x64: {  	p0 =	sne.s32 s21, $0x130;
	v2 =	vnsel vm0, $0x0, v2;
	vm0 =	vlt.s32 v4, v3  }
0x65: {  	s19 =	sadd.s32 $0x10, s19;
	v4 =	vsel vm0, $0x1, v1;
	[tilespmem:s18+$0x0] =	vst v2  }
0x66: {  	s20 =	sadd.s32 $0x10, s20;
	[tilespmem:s19+$0x0] =	vst v4  }
0x67: {  	v2 =	vld [tilespmem:s20+$0x0];
	_ =	sdelay $0x4  }
0x68: {  	v2 =	vnsel vm0, $0x0, v2  }
0x69: {  	s18 =	sadd.s32 $0x10, s18;
	[tilespmem:s20+$0x0] =	vst v2  }
.Ltmp2:
0x6a: {  	v2 =	vld [tilespmem:s18+$0x0];
	(pc) =	sbr.rel @p0 .LBB2_5-.Ltmp2, $2  }
0x6b: {  	_ =	sdelay $0x2  }
0x6c: {  	v4 =	vor.u32 s21, v0;
	s21 =	sadd.s32 $0x10, s21  }
0x6d: {  	vm1 =	vlt.s32 v4, v3;
	v2 =	vnsel vm0, $0x0, v2  }
0x6e: {  	s19 =	sadd.s32 $0x10, s19;
	v3 =	vsel vm1, $0x1, v1;
	[tilespmem:s18+$0x0] =	vst v2  }
0x6f: {  	s30 =	sadd.s32 $0x10, s20;
	[tilespmem:s19+$0x0] =	vst v3  }
0x70: {  	v2 =	vld [tilespmem:s30+$0x0];
	_ =	sdelay $0x4  }
0x71: {  	v2 =	vnsel vm1, $0x0, v2  }
0x72: {  	s31 =	sadd.s32 $0x10, s18;
	[tilespmem:s30+$0x0] =	vst v2  }
0x73: {  	v2 =	vld [tilespmem:s31+$0x0];
	_ =	sdelay $0x4  }
0x74: {  	v2 =	vnsel vm1, $0x0, v2  }
0x75: {  	[tilespmem:s31+$0x0] =	vst v2  }
0x76: {  	[hbm4b:s3+s11] =	stream.strided.scatter [tilespmem:s16], [sflag:$0x1], $0x800, s12, s11, $0x38;
	[tilespmem:$0x2480] =	vst v63  }
0x77: {  	_ = 	snop  }
0x78: {  	[hbm4b:s4+s11] =	stream.strided.scatter [tilespmem:s14], [sflag:$0x1], $0x180, s12, s11, $0x38;
	[tilespmem:$0x2480] =	vst v63  }
0x79: {  	_ = 	snop  }
0x7a: {  	[hbm4b:s5+s11] =	stream.strided.scatter [tilespmem:s15], [sflag:$0x1], $0x180, s12, s11, $0x38;
	[tilespmem:$0x2480] =	vst v63  }
0x7b: {  	_ = 	snop  }
0x7c: {  	[hbm4b:s6+s11] =	stream.strided.scatter [tilespmem:s17], [sflag:$0x1], $0x180, s12, s11, $0x38;
	[tilespmem:$0x2480] =	vst v63  }
0x7d: {  	_ =	swait.ge [sflag:s13], $0x800  }
0x7e: {  	[sflag:s13] =	ssyncset.done $0x0  }
0x7f: {  	[sflag:s13] =	ssyncadd.s32 $0xFFFFF800  }
0x80: {  	_ =	swait.ge [sflag:s13], $0x180  }
0x81: {  	[sflag:s13] =	ssyncset.done $0x0  }
0x82: {  	s2 =	sadd.s32 $0x1, s2;
	[sflag:s13] =	ssyncadd.s32 $0xFFFFFE80  }
0x83: {  	p0 =	sne.s32 s2, s10;
	_ =	swait.ge [sflag:s13], $0x180  }
.Ltmp3:
0x84: {  	[sflag:s13] =	ssyncset.done $0x0;
	(pc) =	sbr.rel @p0 .LBB2_2-.Ltmp3, $4  }
0x85: {  	[sflag:s13] =	ssyncadd.s32 $0xFFFFFE80  }
0x86: {  	_ =	swait.ge [sflag:s13], $0x180  }
0x87: {  	[sflag:s13] =	ssyncset.done $0x0  }
0x88: {  	[sflag:s13] =	ssyncadd.s32 $0xFFFFFE80  }
.LBB2_7:
0x89: {  	_ =	sfence.sel $0x180000  }
0x8a: {  	[bflag:$0x0] =	sbarrier.arrive $0xFFFF  }
0x8b: {  	p0 =	sne.s32 s1, $0x0;
	_ =	strace $0x90000047  }
0x8c: {  	s0 =	sadd.s32 @!p0 $0x100000, s0;
	[bflag:$0x2] =	sbarrier.arrive $0xFFFF  }
0x8d: {  	[sflag:s0] =	ssyncadd.tile.s32 @!p0 $0x1;
	_ =	shalt  }
.Lfunc_end2:
_tile_overlayer_lowered:
.L_overlay_start_2:
0x8e: {  	(tag) =	ssettag $0x2  }
0x8f: {  	s0 =	rddreg [dreg:$0x0];
	s2 =	stileid.u32  }
0x90: {  	s1 =	rddreg [dreg:$0x1];
	p0 =	sne.s32 s2, $0x0  }
0x91: {  	s3 =	rddreg [dreg:$0x2];
	[bflag:$0x3] =	sbarrier.arrive $0xFFFF;
	s2 =	simm.s32 @!p0 $0x1C02  }
0x92: {  	[timem:s3], [sflag:s2] =	dma.local @!p0 [hbm:s0], s1  }
0x93: {  	s0 =	simm.s32 @!p0 $0x2  }
0x94: {  	_ =	swait.ge @!p0 [sflag:s0], s1  }
0x95: {  	s1 =	ssub.s32 @!p0 $0x0, s1;
	[sflag:s0] =	ssyncset.done @!p0 $0x0  }
0x96: {  	[sflag:s0] =	ssyncadd.s32 @!p0 s1  }
0x97: {  	[bflag:$0x3] =	sbarrier.arrive $0xFFFF  }
0x98: {  	_ =	shalt  }

</sc_bundles>
